<compile_context>
chip_gen: v7x
topology: tpu7x:2x2x1
jax: 0.10.2.dev20260603
libtpu: 0.0.44.dev20260713+nightly
codegen_flags: <defaults>
</compile_context>

<pallas_src>
import functools

import jax
import jax.numpy as jnp
from jax import lax
from jax.experimental import pallas as pl
from jax.experimental.pallas import tpu as pltpu
from jax.experimental.pallas import tpu_sc as plsc

D = 128
NC = 2
NS = 16
NW = NC * NS


def kernel(pos_enc_1D, pos):
    B, S = pos.shape
    V = pos_enc_1D.shape[0]
    N = B * S
    per_w = N // NW
    CH = 256
    n_ch = per_w // CH
    NB = 3

    idx_flat = pos.reshape(N)
    mesh = plsc.VectorSubcoreMesh(core_axis_name="c", subcore_axis_name="s")

    @functools.partial(
        pl.kernel,
        mesh=mesh,
        out_type=jax.ShapeDtypeStruct((N, D), jnp.float32),
        scratch_types=[
            pltpu.VMEM((per_w,), jnp.int32),
            pltpu.VMEM((CH, D), jnp.float32),
            pltpu.VMEM((CH, D), jnp.float32),
            pltpu.VMEM((CH, D), jnp.float32),
            pltpu.VMEM_SHARED((V, D), jnp.float32),
            pltpu.SemaphoreType.DMA,
            pltpu.SemaphoreType.DMA,
            pltpu.SemaphoreType.DMA,
            pltpu.SemaphoreType.DMA,
        ],
    )
    def gather_kernel(table_hbm, idx_hbm, out_hbm, idx_v, rows0, rows1,
                      rows2, table_sp, sem_i, sem_g0, sem_g1, sem_g2):
        cid = lax.axis_index("c")
        sid = lax.axis_index("s")
        wid = sid * NC + cid
        base = wid * per_w

        idx_cp = pltpu.make_async_copy(
            idx_hbm.at[pl.ds(base, per_w)], idx_v, sem_i)
        idx_cp.start()

        @pl.when(sid == 0)
        def _():
            pltpu.sync_copy(table_hbm, table_sp)

        plsc.subcore_barrier()
        idx_cp.wait()

        bufs = ((rows0, sem_g0), (rows1, sem_g1), (rows2, sem_g2))

        def start_gather(i, rows, sem):
            pltpu.make_async_copy(
                table_sp.at[idx_v.at[pl.ds(i * CH, CH)]], rows, sem).start()

        def wait_gather(rows, sem):
            pltpu.make_async_copy(
                table_sp.at[idx_v.at[pl.ds(0, CH)]], rows, sem).wait()

        for k in range(NB - 1):
            start_gather(k, *bufs[k])

        def body(j, carry):
            i0 = NB * j
            for k in range(NB):
                rows, sem = bufs[k]
                nxt = i0 + k + NB - 1

                @pl.when(nxt < n_ch)
                def _():
                    nrows, nsem = bufs[(k + NB - 1) % NB]
                    start_gather(nxt, nrows, nsem)

                wait_gather(rows, sem)
                pltpu.sync_copy(
                    rows, out_hbm.at[pl.ds(base + (i0 + k) * CH, CH)])
            return carry

        lax.fori_loop(0, n_ch // NB, body, 0)

        for i in range(NB * (n_ch // NB), n_ch):
            rows, sem = bufs[i % NB]
            wait_gather(rows, sem)
            pltpu.sync_copy(rows, out_hbm.at[pl.ds(base + i * CH, CH)])

    out = gather_kernel(pos_enc_1D, idx_flat)
    return out.reshape(B, S, D)

# --- scband reference (transcript-rebuilt; emitter-appended) ---
"""Pipeline reference for scband-positional-embedding-61040075210806 (READ-ONLY COPY).

The authoritative reference and input builder live on the scoring server;
editing this copy changes nothing except your own understanding.
"""

import jax, jax.numpy as jnp
import numpy as np

D_MODEL = 128
MAX_TEAM_SIZE = 200
BATCH = 4096
SEQ = 200


def _pos_enc_1d(d_model, length):
    # Faithful port of positional_encodings.PositionalEncoding1D applied to
    # zeros(1, length, d_model), then squeeze(0), then row 0 zeroed as in
    # PositionalEmbedding.__init__.
    channels = int(np.ceil(d_model / 2) * 2)
    inv_freq = 1.0 / (10000.0 ** (np.arange(0, channels, 2, dtype=np.float32) / np.float32(channels)))
    pos = np.arange(length, dtype=np.float32)
    sin_inp = np.einsum('i,j->ij', pos, inv_freq)
    emb = np.concatenate([np.sin(sin_inp), np.cos(sin_inp)], axis=-1)
    table = emb[:, :d_model].astype(np.float32)
    table[0] = 0.0
    return jnp.asarray(table)


def setup_inputs(seed: int = 0) -> dict:
    key = jax.random.key(seed)
    pos = jax.random.randint(key, (BATCH, SEQ), 0, MAX_TEAM_SIZE, dtype=jnp.int32)
    pos_enc_1D = _pos_enc_1d(D_MODEL, MAX_TEAM_SIZE)  # buffer built in __init__
    return {"pos_enc_1D": pos_enc_1D, "pos": pos}


def reference(pos_enc_1D, pos):
    # forward (dims == 1): self.pos_enc_1D[pos]
    return jnp.take(pos_enc_1D, pos, axis=0)

if __name__ == "__main__":
    import jax
    _d = setup_inputs()
    print(jax.jit(kernel)(*tuple(_d.values())))

</pallas_src>

<mosaic_0001>
#map = affine_map<(d0, d1) -> (0, 0)>
#map1 = affine_map<(d0, d1) -> (0)>
module attributes {stable_mosaic.version = 14 : i64} {
  func.func @gather_kernel(%arg0: i32, %arg1: i32, %arg2: memref<200x128xf32, #tpu.memory_space<hbm>>, %arg3: memref<819200xi32, #tpu.memory_space<hbm>>, %arg4: memref<819200x128xf32, #tpu.memory_space<hbm>>, %arg5: memref<25600xi32, #tpu.memory_space<vmem>>, %arg6: memref<256x128xf32, #tpu.memory_space<vmem>>, %arg7: memref<256x128xf32, #tpu.memory_space<vmem>>, %arg8: memref<256x128xf32, #tpu.memory_space<vmem>>, %arg9: memref<200x128xf32, #tpu.memory_space<vmem_shared>>, %arg10: memref<!tpu.dma_semaphore, #tpu.memory_space<semaphore_mem>>, %arg11: memref<!tpu.dma_semaphore, #tpu.memory_space<semaphore_mem>>, %arg12: memref<!tpu.dma_semaphore, #tpu.memory_space<semaphore_mem>>, %arg13: memref<!tpu.dma_semaphore, #tpu.memory_space<semaphore_mem>>) attributes {dimension_semantics = [#tpu.dimension_semantics<core_parallel>, #tpu.dimension_semantics<subcore_parallel>], iteration_bounds = array<i64: 2, 16>, scalar_prefetch = 0 : i64, scratch_operands = 9 : i64, tpu.core_type = #tpu.core_type<sc_vector_subcore>, window_params = [{transform_indices = #map}, {transform_indices = #map1}, {transform_indices = #map}]} {
    %mul3A = arith.constant 2 : i32
    %mul3A_0 = arith.muli %arg1, %mul3A : i32
    %add3A = arith.addi %mul3A_0, %arg0 : i32
    %mul3A_1 = arith.constant 25600 : i32
    %mul3A_2 = arith.muli %add3A, %mul3A_1 : i32
    %dma_start3A = tpu.memref_slice %arg3[%mul3A_2] : memref<819200xi32, #tpu.memory_space<hbm>> -> memref<25600xi32, #tpu.memory_space<hbm>>
    %dma_start3A_3 = tpu.memref_slice %arg3[%mul3A_2] : memref<819200xi32, #tpu.memory_space<hbm>> -> memref<25600xi32, #tpu.memory_space<hbm>>
    tpu.enqueue_dma source(%dma_start3A_3 : memref<25600xi32, #tpu.memory_space<hbm>>) target(%arg5 : memref<25600xi32, #tpu.memory_space<vmem>>) target_semaphore(%arg10 : memref<!tpu.dma_semaphore, #tpu.memory_space<semaphore_mem>>)
    %eq3A = arith.constant 0 : i32
    %eq3A_4 = arith.cmpi eq, %arg1, %eq3A : i32
    %convert_element_type3A = arith.extui %eq3A_4 : i1 to i32
    %cond3A = arith.constant 0 : i32
    %cond3A_5 = arith.cmpi ne, %convert_element_type3A, %cond3A : i32
    scf.if %cond3A_5 {
      "tpu.region"() ({
        %run_scoped3A = tpu.sem_alloc : memref<!tpu.dma_semaphore, #tpu.memory_space<semaphore_mem>>
        tpu.enqueue_dma source(%arg2 : memref<200x128xf32, #tpu.memory_space<hbm>>) target(%arg9 : memref<200x128xf32, #tpu.memory_space<vmem_shared>>) target_semaphore(%run_scoped3A : memref<!tpu.dma_semaphore, #tpu.memory_space<semaphore_mem>>)
        tpu.wait_dma2 semaphore(%run_scoped3A : memref<!tpu.dma_semaphore, #tpu.memory_space<semaphore_mem>>) src(%arg2 : memref<200x128xf32, #tpu.memory_space<hbm>>) dst(%arg9 : memref<200x128xf32, #tpu.memory_space<vmem_shared>>)
        tpu.yield
      }) : () -> ()
    } else {
    }
    %barrier3A = arith.constant 0 : index
    tpu.barrier barrier_id(%barrier3A)
    %dma_wait3A = tpu.memref_slice %arg3[%mul3A_2] : memref<819200xi32, #tpu.memory_space<hbm>> -> memref<25600xi32, #tpu.memory_space<hbm>>
    %dma_wait3A_6 = tpu.memref_slice %arg3[%mul3A_2] : memref<819200xi32, #tpu.memory_space<hbm>> -> memref<25600xi32, #tpu.memory_space<hbm>>
    tpu.wait_dma2 semaphore(%arg10 : memref<!tpu.dma_semaphore, #tpu.memory_space<semaphore_mem>>) src(%dma_wait3A_6 : memref<25600xi32, #tpu.memory_space<hbm>>) dst(%arg5 : memref<25600xi32, #tpu.memory_space<vmem>>)
    %dma_start3A_7 = arith.constant 0 : i32
    %dma_start3A_8 = tpu.memref_slice %arg5[%dma_start3A_7] : memref<25600xi32, #tpu.memory_space<vmem>> -> memref<256xi32, #tpu.memory_space<vmem>>
    %dma_start3A_9 = arith.constant 0 : i32
    %dma_start3A_10 = arith.constant 0 : i32
    %dma_start3A_11 = tpu.memref_slice %arg9[%dma_start3A_9, %dma_start3A_10] : memref<200x128xf32, #tpu.memory_space<vmem_shared>> -> memref<200x128xf32, #tpu.memory_space<vmem_shared>>
    tpu.enqueue_indirect_dma source(%dma_start3A_11 : memref<200x128xf32, #tpu.memory_space<vmem_shared>>) target(%arg6 : memref<256x128xf32, #tpu.memory_space<vmem>>) offsets(%dma_start3A_8 : memref<256xi32, #tpu.memory_space<vmem>>) semaphore(%arg11 : memref<!tpu.dma_semaphore, #tpu.memory_space<semaphore_mem>>)
    %dma_start3A_12 = arith.constant 256 : i32
    %dma_start3A_13 = tpu.memref_slice %arg5[%dma_start3A_12] : memref<25600xi32, #tpu.memory_space<vmem>> -> memref<256xi32, #tpu.memory_space<vmem>>
    %dma_start3A_14 = arith.constant 0 : i32
    %dma_start3A_15 = arith.constant 0 : i32
    %dma_start3A_16 = tpu.memref_slice %arg9[%dma_start3A_14, %dma_start3A_15] : memref<200x128xf32, #tpu.memory_space<vmem_shared>> -> memref<200x128xf32, #tpu.memory_space<vmem_shared>>
    tpu.enqueue_indirect_dma source(%dma_start3A_16 : memref<200x128xf32, #tpu.memory_space<vmem_shared>>) target(%arg7 : memref<256x128xf32, #tpu.memory_space<vmem>>) offsets(%dma_start3A_13 : memref<256xi32, #tpu.memory_space<vmem>>) semaphore(%arg12 : memref<!tpu.dma_semaphore, #tpu.memory_space<semaphore_mem>>)
    %scan3A = arith.constant 0 : i32
    %scan3A_17 = arith.constant 0 : i32
    %scan3A_18 = arith.constant 33 : i32
    %scan3A_19 = arith.addi %scan3A_17, %scan3A_18 : i32
    %scan3A_20 = arith.constant 1 : i32
    scf.for %scan3A_29 = %scan3A_17 to %scan3A_19 step %scan3A_20  : i32 {
      %mul3A_30 = arith.constant 3 : i32
      %mul3A_31 = arith.muli %mul3A_30, %scan3A_29 : i32
      %add3A_32 = arith.constant 0 : i32
      %add3A_33 = arith.addi %mul3A_31, %add3A_32 : i32
      %add3A_34 = arith.constant 3 : i32
      %add3A_35 = arith.addi %add3A_33, %add3A_34 : i32
      %sub3A = arith.constant 1 : i32
      %sub3A_36 = arith.subi %add3A_35, %sub3A : i32
      %lt3A = arith.constant 100 : i32
      %lt3A_37 = arith.cmpi slt, %sub3A_36, %lt3A : i32
      %convert_element_type3A_38 = arith.extui %lt3A_37 : i1 to i32
      %cond3A_39 = arith.constant 0 : i32
      %cond3A_40 = arith.cmpi ne, %convert_element_type3A_38, %cond3A_39 : i32
      scf.if %cond3A_40 {
        %mul3A_93 = arith.constant 256 : i32
        %mul3A_94 = arith.muli %sub3A_36, %mul3A_93 : i32
        %dma_start3A_95 = tpu.memref_slice %arg5[%mul3A_94] : memref<25600xi32, #tpu.memory_space<vmem>> -> memref<256xi32, #tpu.memory_space<vmem>>
        %dma_start3A_96 = arith.constant 0 : i32
        %dma_start3A_97 = arith.constant 0 : i32
        %dma_start3A_98 = tpu.memref_slice %arg9[%dma_start3A_96, %dma_start3A_97] : memref<200x128xf32, #tpu.memory_space<vmem_shared>> -> memref<200x128xf32, #tpu.memory_space<vmem_shared>>
        tpu.enqueue_indirect_dma source(%dma_start3A_98 : memref<200x128xf32, #tpu.memory_space<vmem_shared>>) target(%arg8 : memref<256x128xf32, #tpu.memory_space<vmem>>) offsets(%dma_start3A_95 : memref<256xi32, #tpu.memory_space<vmem>>) semaphore(%arg13 : memref<!tpu.dma_semaphore, #tpu.memory_space<semaphore_mem>>)
      } else {
      }
      %dma_wait3A_41 = arith.constant 0 : i32
      %dma_wait3A_42 = tpu.memref_slice %arg5[%dma_wait3A_41] : memref<25600xi32, #tpu.memory_space<vmem>> -> memref<256xi32, #tpu.memory_space<vmem>>
      %dma_wait3A_43 = arith.constant 0 : i32
      %dma_wait3A_44 = arith.constant 0 : i32
      %dma_wait3A_45 = tpu.memref_slice %arg9[%dma_wait3A_43, %dma_wait3A_44] : memref<200x128xf32, #tpu.memory_space<vmem_shared>> -> memref<200x128xf32, #tpu.memory_space<vmem_shared>>
      tpu.wait_indirect_dma semaphore(%arg11 : memref<!tpu.dma_semaphore, #tpu.memory_space<semaphore_mem>>) src(%dma_wait3A_45 : memref<200x128xf32, #tpu.memory_space<vmem_shared>>) dst(%arg6 : memref<256x128xf32, #tpu.memory_space<vmem>>)
      %add3A_46 = arith.constant 0 : i32
      %add3A_47 = arith.addi %mul3A_31, %add3A_46 : i32
      %mul3A_48 = arith.constant 256 : i32
      %mul3A_49 = arith.muli %add3A_47, %mul3A_48 : i32
      %add3A_50 = arith.addi %mul3A_2, %mul3A_49 : i32
      "tpu.region"() ({
        %run_scoped3A = tpu.sem_alloc : memref<!tpu.dma_semaphore, #tpu.memory_space<semaphore_mem>>
        %dma_start3A_93 = arith.constant 0 : i32
        %dma_start3A_94 = tpu.memref_slice %arg4[%add3A_50, %dma_start3A_93] : memref<819200x128xf32, #tpu.memory_space<hbm>> -> memref<256x128xf32, #tpu.memory_space<hbm>>
        %dma_start3A_95 = arith.constant 0 : i32
        %dma_start3A_96 = tpu.memref_slice %arg4[%add3A_50, %dma_start3A_95] : memref<819200x128xf32, #tpu.memory_space<hbm>> -> memref<256x128xf32, #tpu.memory_space<hbm>>
        tpu.enqueue_dma source(%arg6 : memref<256x128xf32, #tpu.memory_space<vmem>>) target(%dma_start3A_96 : memref<256x128xf32, #tpu.memory_space<hbm>>) target_semaphore(%run_scoped3A : memref<!tpu.dma_semaphore, #tpu.memory_space<semaphore_mem>>)
        %dma_wait3A_97 = arith.constant 0 : i32
        %dma_wait3A_98 = tpu.memref_slice %arg4[%add3A_50, %dma_wait3A_97] : memref<819200x128xf32, #tpu.memory_space<hbm>> -> memref<256x128xf32, #tpu.memory_space<hbm>>
        %dma_wait3A_99 = arith.constant 0 : i32
        %dma_wait3A_100 = tpu.memref_slice %arg4[%add3A_50, %dma_wait3A_99] : memref<819200x128xf32, #tpu.memory_space<hbm>> -> memref<256x128xf32, #tpu.memory_space<hbm>>
        tpu.wait_dma2 semaphore(%run_scoped3A : memref<!tpu.dma_semaphore, #tpu.memory_space<semaphore_mem>>) src(%arg6 : memref<256x128xf32, #tpu.memory_space<vmem>>) dst(%dma_wait3A_100 : memref<256x128xf32, #tpu.memory_space<hbm>>)
        tpu.yield
      }) : () -> ()
      %add3A_51 = arith.constant 1 : i32
      %add3A_52 = arith.addi %mul3A_31, %add3A_51 : i32
      %add3A_53 = arith.constant 3 : i32
      %add3A_54 = arith.addi %add3A_52, %add3A_53 : i32
      %sub3A_55 = arith.constant 1 : i32
      %sub3A_56 = arith.subi %add3A_54, %sub3A_55 : i32
      %lt3A_57 = arith.constant 100 : i32
      %lt3A_58 = arith.cmpi slt, %sub3A_56, %lt3A_57 : i32
      %convert_element_type3A_59 = arith.extui %lt3A_58 : i1 to i32
      %cond3A_60 = arith.constant 0 : i32
      %cond3A_61 = arith.cmpi ne, %convert_element_type3A_59, %cond3A_60 : i32
      scf.if %cond3A_61 {
        %mul3A_93 = arith.constant 256 : i32
        %mul3A_94 = arith.muli %sub3A_56, %mul3A_93 : i32
        %dma_start3A_95 = tpu.memref_slice %arg5[%mul3A_94] : memref<25600xi32, #tpu.memory_space<vmem>> -> memref<256xi32, #tpu.memory_space<vmem>>
        %dma_start3A_96 = arith.constant 0 : i32
        %dma_start3A_97 = arith.constant 0 : i32
        %dma_start3A_98 = tpu.memref_slice %arg9[%dma_start3A_96, %dma_start3A_97] : memref<200x128xf32, #tpu.memory_space<vmem_shared>> -> memref<200x128xf32, #tpu.memory_space<vmem_shared>>
        tpu.enqueue_indirect_dma source(%dma_start3A_98 : memref<200x128xf32, #tpu.memory_space<vmem_shared>>) target(%arg6 : memref<256x128xf32, #tpu.memory_space<vmem>>) offsets(%dma_start3A_95 : memref<256xi32, #tpu.memory_space<vmem>>) semaphore(%arg11 : memref<!tpu.dma_semaphore, #tpu.memory_space<semaphore_mem>>)
      } else {
      }
      %dma_wait3A_62 = arith.constant 0 : i32
      %dma_wait3A_63 = tpu.memref_slice %arg5[%dma_wait3A_62] : memref<25600xi32, #tpu.memory_space<vmem>> -> memref<256xi32, #tpu.memory_space<vmem>>
      %dma_wait3A_64 = arith.constant 0 : i32
      %dma_wait3A_65 = arith.constant 0 : i32
      %dma_wait3A_66 = tpu.memref_slice %arg9[%dma_wait3A_64, %dma_wait3A_65] : memref<200x128xf32, #tpu.memory_space<vmem_shared>> -> memref<200x128xf32, #tpu.memory_space<vmem_shared>>
      tpu.wait_indirect_dma semaphore(%arg12 : memref<!tpu.dma_semaphore, #tpu.memory_space<semaphore_mem>>) src(%dma_wait3A_66 : memref<200x128xf32, #tpu.memory_space<vmem_shared>>) dst(%arg7 : memref<256x128xf32, #tpu.memory_space<vmem>>)
      %add3A_67 = arith.constant 1 : i32
      %add3A_68 = arith.addi %mul3A_31, %add3A_67 : i32
      %mul3A_69 = arith.constant 256 : i32
      %mul3A_70 = arith.muli %add3A_68, %mul3A_69 : i32
      %add3A_71 = arith.addi %mul3A_2, %mul3A_70 : i32
      "tpu.region"() ({
        %run_scoped3A = tpu.sem_alloc : memref<!tpu.dma_semaphore, #tpu.memory_space<semaphore_mem>>
        %dma_start3A_93 = arith.constant 0 : i32
        %dma_start3A_94 = tpu.memref_slice %arg4[%add3A_71, %dma_start3A_93] : memref<819200x128xf32, #tpu.memory_space<hbm>> -> memref<256x128xf32, #tpu.memory_space<hbm>>
        %dma_start3A_95 = arith.constant 0 : i32
        %dma_start3A_96 = tpu.memref_slice %arg4[%add3A_71, %dma_start3A_95] : memref<819200x128xf32, #tpu.memory_space<hbm>> -> memref<256x128xf32, #tpu.memory_space<hbm>>
        tpu.enqueue_dma source(%arg7 : memref<256x128xf32, #tpu.memory_space<vmem>>) target(%dma_start3A_96 : memref<256x128xf32, #tpu.memory_space<hbm>>) target_semaphore(%run_scoped3A : memref<!tpu.dma_semaphore, #tpu.memory_space<semaphore_mem>>)
        %dma_wait3A_97 = arith.constant 0 : i32
        %dma_wait3A_98 = tpu.memref_slice %arg4[%add3A_71, %dma_wait3A_97] : memref<819200x128xf32, #tpu.memory_space<hbm>> -> memref<256x128xf32, #tpu.memory_space<hbm>>
        %dma_wait3A_99 = arith.constant 0 : i32
        %dma_wait3A_100 = tpu.memref_slice %arg4[%add3A_71, %dma_wait3A_99] : memref<819200x128xf32, #tpu.memory_space<hbm>> -> memref<256x128xf32, #tpu.memory_space<hbm>>
        tpu.wait_dma2 semaphore(%run_scoped3A : memref<!tpu.dma_semaphore, #tpu.memory_space<semaphore_mem>>) src(%arg7 : memref<256x128xf32, #tpu.memory_space<vmem>>) dst(%dma_wait3A_100 : memref<256x128xf32, #tpu.memory_space<hbm>>)
        tpu.yield
      }) : () -> ()
      %add3A_72 = arith.constant 2 : i32
      %add3A_73 = arith.addi %mul3A_31, %add3A_72 : i32
      %add3A_74 = arith.constant 3 : i32
      %add3A_75 = arith.addi %add3A_73, %add3A_74 : i32
      %sub3A_76 = arith.constant 1 : i32
      %sub3A_77 = arith.subi %add3A_75, %sub3A_76 : i32
      %lt3A_78 = arith.constant 100 : i32
      %lt3A_79 = arith.cmpi slt, %sub3A_77, %lt3A_78 : i32
      %convert_element_type3A_80 = arith.extui %lt3A_79 : i1 to i32
      %cond3A_81 = arith.constant 0 : i32
      %cond3A_82 = arith.cmpi ne, %convert_element_type3A_80, %cond3A_81 : i32
      scf.if %cond3A_82 {
        %mul3A_93 = arith.constant 256 : i32
        %mul3A_94 = arith.muli %sub3A_77, %mul3A_93 : i32
        %dma_start3A_95 = tpu.memref_slice %arg5[%mul3A_94] : memref<25600xi32, #tpu.memory_space<vmem>> -> memref<256xi32, #tpu.memory_space<vmem>>
        %dma_start3A_96 = arith.constant 0 : i32
        %dma_start3A_97 = arith.constant 0 : i32
        %dma_start3A_98 = tpu.memref_slice %arg9[%dma_start3A_96, %dma_start3A_97] : memref<200x128xf32, #tpu.memory_space<vmem_shared>> -> memref<200x128xf32, #tpu.memory_space<vmem_shared>>
        tpu.enqueue_indirect_dma source(%dma_start3A_98 : memref<200x128xf32, #tpu.memory_space<vmem_shared>>) target(%arg7 : memref<256x128xf32, #tpu.memory_space<vmem>>) offsets(%dma_start3A_95 : memref<256xi32, #tpu.memory_space<vmem>>) semaphore(%arg12 : memref<!tpu.dma_semaphore, #tpu.memory_space<semaphore_mem>>)
      } else {
      }
      %dma_wait3A_83 = arith.constant 0 : i32
      %dma_wait3A_84 = tpu.memref_slice %arg5[%dma_wait3A_83] : memref<25600xi32, #tpu.memory_space<vmem>> -> memref<256xi32, #tpu.memory_space<vmem>>
      %dma_wait3A_85 = arith.constant 0 : i32
      %dma_wait3A_86 = arith.constant 0 : i32
      %dma_wait3A_87 = tpu.memref_slice %arg9[%dma_wait3A_85, %dma_wait3A_86] : memref<200x128xf32, #tpu.memory_space<vmem_shared>> -> memref<200x128xf32, #tpu.memory_space<vmem_shared>>
      tpu.wait_indirect_dma semaphore(%arg13 : memref<!tpu.dma_semaphore, #tpu.memory_space<semaphore_mem>>) src(%dma_wait3A_87 : memref<200x128xf32, #tpu.memory_space<vmem_shared>>) dst(%arg8 : memref<256x128xf32, #tpu.memory_space<vmem>>)
      %add3A_88 = arith.constant 2 : i32
      %add3A_89 = arith.addi %mul3A_31, %add3A_88 : i32
      %mul3A_90 = arith.constant 256 : i32
      %mul3A_91 = arith.muli %add3A_89, %mul3A_90 : i32
      %add3A_92 = arith.addi %mul3A_2, %mul3A_91 : i32
      "tpu.region"() ({
        %run_scoped3A = tpu.sem_alloc : memref<!tpu.dma_semaphore, #tpu.memory_space<semaphore_mem>>
        %dma_start3A_93 = arith.constant 0 : i32
        %dma_start3A_94 = tpu.memref_slice %arg4[%add3A_92, %dma_start3A_93] : memref<819200x128xf32, #tpu.memory_space<hbm>> -> memref<256x128xf32, #tpu.memory_space<hbm>>
        %dma_start3A_95 = arith.constant 0 : i32
        %dma_start3A_96 = tpu.memref_slice %arg4[%add3A_92, %dma_start3A_95] : memref<819200x128xf32, #tpu.memory_space<hbm>> -> memref<256x128xf32, #tpu.memory_space<hbm>>
        tpu.enqueue_dma source(%arg8 : memref<256x128xf32, #tpu.memory_space<vmem>>) target(%dma_start3A_96 : memref<256x128xf32, #tpu.memory_space<hbm>>) target_semaphore(%run_scoped3A : memref<!tpu.dma_semaphore, #tpu.memory_space<semaphore_mem>>)
        %dma_wait3A_97 = arith.constant 0 : i32
        %dma_wait3A_98 = tpu.memref_slice %arg4[%add3A_92, %dma_wait3A_97] : memref<819200x128xf32, #tpu.memory_space<hbm>> -> memref<256x128xf32, #tpu.memory_space<hbm>>
        %dma_wait3A_99 = arith.constant 0 : i32
        %dma_wait3A_100 = tpu.memref_slice %arg4[%add3A_92, %dma_wait3A_99] : memref<819200x128xf32, #tpu.memory_space<hbm>> -> memref<256x128xf32, #tpu.memory_space<hbm>>
        tpu.wait_dma2 semaphore(%run_scoped3A : memref<!tpu.dma_semaphore, #tpu.memory_space<semaphore_mem>>) src(%arg8 : memref<256x128xf32, #tpu.memory_space<vmem>>) dst(%dma_wait3A_100 : memref<256x128xf32, #tpu.memory_space<hbm>>)
        tpu.yield
      }) : () -> ()
    }
    %scan3A_21 = arith.constant 33 : i32
    %dma_wait3A_22 = arith.constant 0 : i32
    %dma_wait3A_23 = tpu.memref_slice %arg5[%dma_wait3A_22] : memref<25600xi32, #tpu.memory_space<vmem>> -> memref<256xi32, #tpu.memory_space<vmem>>
    %dma_wait3A_24 = arith.constant 0 : i32
    %dma_wait3A_25 = arith.constant 0 : i32
    %dma_wait3A_26 = tpu.memref_slice %arg9[%dma_wait3A_24, %dma_wait3A_25] : memref<200x128xf32, #tpu.memory_space<vmem_shared>> -> memref<200x128xf32, #tpu.memory_space<vmem_shared>>
    tpu.wait_indirect_dma semaphore(%arg11 : memref<!tpu.dma_semaphore, #tpu.memory_space<semaphore_mem>>) src(%dma_wait3A_26 : memref<200x128xf32, #tpu.memory_space<vmem_shared>>) dst(%arg6 : memref<256x128xf32, #tpu.memory_space<vmem>>)
    %add3A_27 = arith.constant 25344 : i32
    %add3A_28 = arith.addi %mul3A_2, %add3A_27 : i32
    "tpu.region"() ({
      %run_scoped3A = tpu.sem_alloc : memref<!tpu.dma_semaphore, #tpu.memory_space<semaphore_mem>>
      %dma_start3A_29 = arith.constant 0 : i32
      %dma_start3A_30 = tpu.memref_slice %arg4[%add3A_28, %dma_start3A_29] : memref<819200x128xf32, #tpu.memory_space<hbm>> -> memref<256x128xf32, #tpu.memory_space<hbm>>
      %dma_start3A_31 = arith.constant 0 : i32
      %dma_start3A_32 = tpu.memref_slice %arg4[%add3A_28, %dma_start3A_31] : memref<819200x128xf32, #tpu.memory_space<hbm>> -> memref<256x128xf32, #tpu.memory_space<hbm>>
      tpu.enqueue_dma source(%arg6 : memref<256x128xf32, #tpu.memory_space<vmem>>) target(%dma_start3A_32 : memref<256x128xf32, #tpu.memory_space<hbm>>) target_semaphore(%run_scoped3A : memref<!tpu.dma_semaphore, #tpu.memory_space<semaphore_mem>>)
      %dma_wait3A_33 = arith.constant 0 : i32
      %dma_wait3A_34 = tpu.memref_slice %arg4[%add3A_28, %dma_wait3A_33] : memref<819200x128xf32, #tpu.memory_space<hbm>> -> memref<256x128xf32, #tpu.memory_space<hbm>>
      %dma_wait3A_35 = arith.constant 0 : i32
      %dma_wait3A_36 = tpu.memref_slice %arg4[%add3A_28, %dma_wait3A_35] : memref<819200x128xf32, #tpu.memory_space<hbm>> -> memref<256x128xf32, #tpu.memory_space<hbm>>
      tpu.wait_dma2 semaphore(%run_scoped3A : memref<!tpu.dma_semaphore, #tpu.memory_space<semaphore_mem>>) src(%arg6 : memref<256x128xf32, #tpu.memory_space<vmem>>) dst(%dma_wait3A_36 : memref<256x128xf32, #tpu.memory_space<hbm>>)
      tpu.yield
    }) : () -> ()
    return
  }
}

</mosaic_0001>

<sc_bundles>
// kernel: kernel.3.cloned.1.call-start
scs
__scs_entry_jumppad:
0x0: {  	(pc) =	sbr.rel $0x88, $3  }
0x1: {  	(tag) =	ssettag $0x0;
	lr =	simm.s32 $0x1  }
0x2: {  	[smem:$0x3F9F] =	sst lr;
	_ =	strace $0xD0000000  }
0x3: {  	_ = 	snop  }
0x4: {  	_ = 	snop  }
0x5: {  	_ = 	snop  }
0x6: {  	_ = 	snop  }
0x7: {  	_ = 	snop  }
__scs_overlays_trampoline_lowered:
0x8: {  	[smem:$0x3FAE] =	sst s0  }
0x9: {  	[smem:$0x3FAF] =	sst s1  }
0xa: {  	[smem:$0x3FB0] =	sst s2  }
0xb: {  	[smem:$0x3FB1] =	sst s3  }
0xc: {  	[smem:$0x3FB2] =	sst s4  }
0xd: {  	[smem:$0x3FB3] =	sst s5  }
0xe: {  	[smem:$0x3FB4] =	sst s6  }
0xf: {  	[smem:$0x3FB5] =	sst s7  }
0x10: {  	[smem:$0x3FB6] =	sst s8  }
0x11: {  	[smem:$0x3FB7] =	sst s9;
	s0 =	simm.s32 @!p0 $0x0  }
0x12: {  	s1 =	sld [smem:$0x3F9D];
	s0 =	simm.s32 @p0 $0x1  }
0x13: {  	[smem:$0x3FB8] =	sst s0;
	s0 =	simm.s32 @!p1 $0x0  }
0x14: {  	s2 =	sld [smem:$0x3F9C];
	s0 =	simm.s32 @p1 $0x1  }
0x15: {  	[smem:$0x3FB9] =	sst s0;
	s0 =	simm.s32 @!p2 $0x0  }
0x16: {  	s3 =	sld [smem:$0x3FDB];
	s0 =	simm.s32 @p2 $0x1  }
0x17: {  	s4 =	simm.s32 $0x1BF5;
	[smem:$0x3FBB] =	sst s0  }
0x18: {  	s0 =	sld [smem:$0x3F9E];
	_ =	swait.ge [sflag:s4], $0x0  }
0x19: {  	s7 =	sld [smem:$0x3F9F]  }
0x1a: {  	s8 =	sadd.s32 $0xFFFFE003, lr  }
0x1b: {  	s9 =	sadd.s32 $0xFFFFFEF7, lr;
	s5 =	simm.s32 $0xFFFFFFFF;
	p2 =	slt.u32 s8, $0xFFFFF086  }
0x1c: {  	p1 =	slt.u32 s9, $0xF7A;
	s5 =	simm.s32 @!p2 $0x0  }
0x1d: {  	s5 =	simm.s32 @p1 $0x1;
	p0 =	seq.s32 s7, s2  }
0x1e: {  	s7 =	smul.u32 @!p0 $0xF7A, s2;
	p2 =	seq.s32 @!p0 s5, $0x0  }
0x1f: {  	s9 =	smul.u32 $0xF7A, s1;
	s8 =	simm.s32 @!p0 $0x1BF5;
	p2 =	por !p2, p0  }
0x20: {  	[sflag:s8] =	ssyncset.s32 @!p0 $0xFFFFF086;
	s6 =	sadd.s32 @!p0 s3, s7;
	s7 =	simm.s32 @!p0 $0x108  }
0x21: {  	s3 =	sadd.s32 s3, s9;
	s6 =	sadd.s32 @!p0 $0x88, s6;
	s7 =	simm.s32 @p2 $0x1082  }
0x22: {  	[simem:s7], [sflag:s8] =	dma.local @!p0 [hbm:s6], $0xF7A  }
0x23: {  	s9 =	sor.u32 $0xD0000000, s2;
	s6 =	simm.s32 $0x108;
	_ =	swait.ge @!p0 [sflag:s8], $0x0  }
0x24: {  	s3 =	sadd.s32 $0x88, s3;
	s6 =	simm.s32 @!p1 $0x1082;
	[sflag:s4] =	ssyncset.s32 $0xFFFFF086  }
0x25: {  	[simem:s6], [sflag:s4] =	dma.local [hbm:s3], $0xF7A  }
0x26: {  	[smem:$0x3F9F] =	sst s1;
	(tag) =	ssettag s2;
	_ =	strace s9  }
0x27: {  	s1 =	sld [smem:$0x3FAF]  }
0x28: {  	s2 =	sld [smem:$0x3FB0]  }
0x29: {  	s4 =	sld [smem:$0x3FB2]  }
0x2a: {  	p0 =	seq.s32 s5, $0x0;
	s5 =	sld [smem:$0x3FB3]  }
0x2b: {  	s6 =	sld [smem:$0x3FB4]  }
0x2c: {  	s7 =	sld [smem:$0x3FB5]  }
0x2d: {  	s3 =	simm.s32 $0x108;
	s8 =	sld [smem:$0x3FB6]  }
0x2e: {  	s3 =	simm.s32 @!p0 $0x1082;
	s9 =	sld [smem:$0x3FB7]  }
0x2f: {  	lr =	sadd.s32 s0, s3;
	s0 =	sld [smem:$0x3FAE]  }
0x30: {  	s3 =	sld [smem:$0x3FB1]  }
0x31: {  	[smem:$0x3FBA] =	sst s10  }
0x32: {  	s10 =	sld [smem:$0x3FB8];
	_ =	sdelay $0x3  }
0x33: {  	p0 =	seq.s32 s10, $0x1;
	s10 =	sld [smem:$0x3FBA];
	_ =	sdelay $0x3  }
0x34: {  	[smem:$0x3FBA] =	sst s10  }
0x35: {  	s10 =	sld [smem:$0x3FB9];
	_ =	sdelay $0x3  }
0x36: {  	p1 =	seq.s32 s10, $0x1;
	s10 =	sld [smem:$0x3FBA];
	_ =	sdelay $0x3  }
0x37: {  	[smem:$0x3FBA] =	sst s10  }
0x38: {  	s10 =	sld [smem:$0x3FBB]  }
0x39: {  	_ = 	snop;
	(pc) =	sbr.ind lr, $3  }
0x3a: {  	_ = 	snop  }
0x3b: {  	_ = 	snop  }
0x3c: {  	p2 =	seq.s32 s10, $0x1;
	s10 =	sld [smem:$0x3FBA]  }
0x3d: {  	_ =	shalt  }
0x3e: {  	_ =	shalt  }
0x3f: {  	_ =	shalt  }
0x40: {  	_ =	shalt  }
0x41: {  	_ =	shalt  }
0x42: {  	_ =	shalt  }
0x43: {  	_ =	shalt  }
0x44: {  	_ =	shalt  }
0x45: {  	_ =	shalt  }
0x46: {  	_ =	shalt  }
0x47: {  	_ =	shalt  }
0x48: {  	_ =	shalt  }
0x49: {  	_ =	shalt  }
0x4a: {  	_ =	shalt  }
0x4b: {  	_ =	shalt  }
0x4c: {  	_ =	shalt  }
0x4d: {  	_ =	shalt  }
0x4e: {  	_ =	shalt  }
0x4f: {  	_ =	shalt  }
0x50: {  	_ =	shalt  }
0x51: {  	_ =	shalt  }
0x52: {  	_ =	shalt  }
0x53: {  	_ =	shalt  }
0x54: {  	_ =	shalt  }
0x55: {  	_ =	shalt  }
0x56: {  	_ =	shalt  }
0x57: {  	_ =	shalt  }
0x58: {  	_ =	shalt  }
0x59: {  	_ =	shalt  }
0x5a: {  	_ =	shalt  }
0x5b: {  	_ =	shalt  }
0x5c: {  	_ =	shalt  }
0x5d: {  	_ =	shalt  }
0x5e: {  	_ =	shalt  }
0x5f: {  	_ =	shalt  }
0x60: {  	_ =	shalt  }
0x61: {  	_ =	shalt  }
0x62: {  	_ =	shalt  }
0x63: {  	_ =	shalt  }
0x64: {  	_ =	shalt  }
0x65: {  	_ =	shalt  }
0x66: {  	_ =	shalt  }
0x67: {  	_ =	shalt  }
0x68: {  	_ =	shalt  }
0x69: {  	_ =	shalt  }
0x6a: {  	_ =	shalt  }
0x6b: {  	_ =	shalt  }
0x6c: {  	_ =	shalt  }
0x6d: {  	_ =	shalt  }
0x6e: {  	_ =	shalt  }
0x6f: {  	_ =	shalt  }
0x70: {  	_ =	shalt  }
0x71: {  	_ =	shalt  }
0x72: {  	_ =	shalt  }
0x73: {  	_ =	shalt  }
0x74: {  	_ =	shalt  }
0x75: {  	_ =	shalt  }
0x76: {  	_ =	shalt  }
0x77: {  	_ =	shalt  }
0x78: {  	_ =	shalt  }
0x79: {  	_ =	shalt  }
0x7a: {  	_ =	shalt  }
0x7b: {  	_ =	shalt  }
0x7c: {  	_ =	shalt  }
0x7d: {  	_ =	shalt  }
0x7e: {  	_ =	shalt  }
0x7f: {  	_ =	shalt  }
0x80: {  	_ =	shalt  }
0x81: {  	_ =	shalt  }
0x82: {  	_ =	shalt  }
0x83: {  	_ =	shalt  }
0x84: {  	_ =	shalt  }
0x85: {  	_ =	shalt  }
0x86: {  	_ =	shalt  }
0x87: {  	_ =	shalt  }
.Lfunc_end0:
.L_simem_size_0:
called_computation_lowered:
.L_overlay_start_0:
0x88: {  	s2 =	sld [smem:$0x3FD9]  }
0x89: {  	s3 =	sld [smem:$0x3FFE];
	_ =	sdelay $0x1  }
0x8a: {  	s1 =	srdreg.scid  }
0x8b: {  	s0 =	sand.u32 $0x1, s1  }
0x8c: {  	s17 =	sshll.u32 s0, $0xA;
	s2 =	sadd.s32 s3, s2  }
0x8d: {  	s2 =	sadd.s32 s2, s17  }
0x8e: {  	[smem:$0x3FC6] =	sst s2  }
0x8f: {  	_ = 	snop  }
0x90: {  	s2 =	sld [smem:$0x3FC9]  }
0x91: {  	s18 =	sld [smem:$0x3FD0];
	(tm) =	ssettm $0x1  }
0x92: {  	s4 =	sld [smem:$0x3FFB];
	_ =	sdelay $0x3  }
0x93: {  	_ =	strace s4  }
0x94: {  	s4 =	sld [smem:$0x3FFC];
	_ =	sdelay $0x3  }
0x95: {  	_ =	strace s4  }
0x96: {  	s4 =	sld [smem:$0x3FFD];
	_ =	sdelay $0x3  }
0x97: {  	_ =	strace s4  }
0x98: {  	_ =	strace $0x8FFFFFFF  }
0x99: {  	s19 =	sld [smem:$0x3FDB];
	_ =	sdelay $0x1  }
0x9a: {  	s5 =	simm.s32 $_scs_section_size  }
0x9b: {  	s6 =	simm.s32 $_size__tile_overlayer_lowered;
	s7 =	simm.s32 $_tile_overlayer_lowered  }
0x9c: {  	s22 =	simm.s32 $0x1BFF;
	s21 =	sshll.u32 s7, $0x1;
	s4 =	sadd.s32 s5, s19  }
0x9d: {  	s8 =	simm.s32 $0x0;
	s20 =	sshll.u32 s6, $0x1;
	s6 =	sadd.s32 s21, s4  }
0x9e: {  	[timem:s8], [sflag:s22] =	dma.local [hbm:s6], s20  }
0x9f: {  	_ =	swait.ge [sflag:s22], s20  }
0xa0: {  	s5 =	ssub.s32 $0x0, s20;
	[sflag:s22] =	ssyncset.done $0x0  }
0xa1: {  	[sflag:s22] =	ssyncadd.s32 s5;
	_ =	sdelay $0x1  }
0xa2: {  	s23 =	simm.s32 $0x1B8B  }
0xa3: {  	_ =	swait.ge [sflag:s23], $0x1  }
0xa4: {  	[sflag:s23] =	ssyncset.done $0x0  }
0xa5: {  	s25 =	simm.s32 $0x1B8E;
	s24 =	sld [smem:$0x3FFE];
	[sflag:s23] =	ssyncadd.s32 $0xFFFFFFFF  }
0xa6: {  	s26 =	simm.s32 $execute0_lowered;
	[smem:$0x3FD2] =	sst s25  }
0xa7: {  	s6 =	sshll.u32 s26, $0x1;
	_ =	strace $0x80000046;
	[dreg:$0x1] =	wrdreg $0xFFFFFFFF  }
0xa8: {  	s28 =	simm.s32 $_size_execute0_lowered;
	s4 =	sadd.s32 s4, s6;
	[dreg:$0x0] =	wrdreg $0x0  }
0xa9: {  	s6 =	sshll.u32 s28, $0x1;
	[dreg:$0x2] =	wrdreg s4  }
0xaa: {  	[dreg:$0x3] =	wrdreg s6  }
0xab: {  	[dreg:$0x4] =	wrdreg $0xC0  }
0xac: {  	_ =	task [dreg:s8], $0x5FFFF  }
0xad: {  	[dreg:$0x1] =	wrdreg $0xFFFFFFFF  }
0xae: {  	[dreg:$0x0] =	wrdreg $0x60  }
0xaf: {  	[dreg:$0x2] =	wrdreg s2  }
0xb0: {  	[dreg:$0x3] =	wrdreg s24  }
0xb1: {  	[dreg:$0x4] =	wrdreg s18  }
0xb2: {  	[dreg:$0x5] =	wrdreg $0x1E4000  }
0xb3: {  	[dreg:$0x6] =	wrdreg $0x9  }
0xb4: {  	_ =	task.clear_ibuf [dreg:s8], $0x7FFFF;
	_ =	strace $0x90000046  }
0xb5: {  	s29 =	simm.s32 $0x9;
	_ =	strace $0x80000048  }
0xb6: {  	_ =	swait.ge [sflag:s29], $0x1  }
0xb7: {  	[sflag:s29] =	ssyncadd.s32 $0xFFFFFFFF  }
0xb8: {  	_ =	strace $0x90000048  }
0xb9: {  	_ =	sfence  }
0xba: {  	s30 =	sld [smem:$0x0];
	_ =	sdelay $0x2  }
0xbb: {  	s31 =	sshll.u32 s1, $0xD;
	s1 =	sshrl.u32 s1, $0x2  }
0xbc: {  	s3 =	sand.u32 $0x4000, s31;
	s1 =	sadd.s32 s1, s30  }
0xbd: {  	s0 =	sor.u32 s3, s0;
	s1 =	sshll.u32 s1, $0x11  }
0xbe: {  	s0 =	sor.u32 s1, s0  }
0xbf: {  	s0 =	sadd.s32 $0x8F2B, s0  }
0xc0: {  	[sflag:s0] =	ssyncadd.remote.s32 $0x1  }
0xc1: {  	_ =	sfence.sel $0xFFFF  }
0xc2: {  	[dreg:$0x0] =	wrdreg $0xFFFFFFFF;
	(pc) =	sbr.abs _section_cstart, $3  }
0xc3: {  	[dreg:$0x1] =	wrdreg $0xFFFFFFFF  }
0xc4: {  	_ =	task.clear_ibuf [dreg:s8], $0x2FFFF;
	_ =	strace $0x9FFFFFFF  }
0xc5: {  	(tm) =	ssettm $0x7FFFFFFF  }
tec
execute0_lowered:
.L_overlay_start_1:
0x0: {  	(tag) =	ssettag $0x1  }
0x1: {  	s0 =	rddreg [dreg:$0x0]  }
0x2: {  	s4 =	rddreg [dreg:$0x1]  }
0x3: {  	s11 =	rddreg [dreg:$0x2];
	s1 =	srdreg.scid  }
0x4: {  	s10 =	stileid.u32;
	s2 =	rddreg [dreg:$0x3]  }
0x5: {  	s3 =	simm.s32 $0x0;
	s16 =	simm.s32 $0xE400;
	s17 =	simm.s32 $0x16400  }
0x6: {  	s18 =	simm.s32 $0x2;
	s19 =	simm.s32 $0x5;
	s20 =	simm.s32 $0x3  }
0x7: {  	s21 =	simm.s32 $0x4;
	s22 =	simm.s32 $0x6200;
	s28 =	smul.u32 $0x640000, s10  }
0x8: {  	s23 =	simm.s32 $0x6300;
	s12 =	sand.u32 $0x1, s1;
	s15 =	smul.u32 $0xC8000, s10  }
0x9: {  	s5 =	sshll.u32 s10, $0x1;
	s1 =	rddreg [dreg:$0x4];
	s14 =	smul.u32 $0x320000, s12  }
0xa: {  	s5 =	sor.u32 s12, s5;
	s7 =	ssub.s32 $0x2, s12;
	s12 =	smul.u32 $0x64000, s12  }
0xb: {  	s24 =	simm.s32 $0x0;
	[smem:$0x7FF] =	sst s3;
	s6 =	smul.u32 $0x6400, s5  }
0xc: {  	p0 =	sne.s32 s10, $0x0;
	_ =	strace $0x80000047;
	s9 =	smul.u32 $0x320000, s5  }
0xd: {  	s8 =	sshrl.u32 s7, $0x1;
	s5 =	smul.u32 $0x64000, s5;
	s31 =	sadd.s32 s15, s11  }
0xe: {  	s15 =	simm.s32 $0x6400;
	s25 =	ssub.s32 s7, s8;
	s14 =	sadd.s32 s14, s28  }
0xf: {  	s10 =	sadd.s32 s12, s31;
	s12 =	sshrl.u32 @!p0 s2, $0x3;
	s6 =	sshrl.u32 s6, $0x3  }
0x10: {  	s26 =	sshrl.u32 s9, $0x3;
	s29 =	sadd.s32 s11, s5;
	s30 =	sor.u32 $0x10000, s14  }
0x11: {  	s14 =	simm.s32 $0x100;
	s4 =	sadd.s32 s6, s4;
	s13 =	sadd.s32 s11, s26  }
0x12: {  	s6 =	smax.u32 s25, $0x1;
	s7 =	sadd.s32 $0x60000, s29;
	s8 =	sadd.s32 $0x61000, s29  }
0x13: {  	s5 =	sadd.s32 $0x63000, s13;
	s9 =	sadd.s32 $0x62000, s13;
	s13 =	sshrl.u32 s30, $0x3  }
0x14: {  	s4 =	sadd.s32 $0x400, s4;
	s11 =	sadd.s32 s13, s11;
	s13 =	simm.s32 $0x1  }
.LBB2_1:
0x15: {  	[tilespmem:s3], [sflag:$0x1] =	stream.linear.gather [hbm4b:s4+s3], $0x6400, $0x38;
	[tilespmem:$0x1EA40] =	vst v63  }
0x16: {  	s25 =	simm.s32 @!p0 $0x1C05  }
0x17: {  	[spmem:s12], [sflag:s25] =	dma.local @!p0 [hbm:s0], $0xC80  }
0x18: {  	s25 =	simm.s32 @!p0 $0x5  }
0x19: {  	_ =	swait.ge @!p0 [sflag:s25], $0xC80  }
0x1a: {  	[sflag:s25] =	ssyncset.done @!p0 $0x0  }
0x1b: {  	[sflag:s25] =	ssyncadd.s32 @!p0 $0xFFFFF380  }
0x1c: {  	[bflag:$0x0] =	sbarrier.arrive $0xFFFF  }
0x1d: {  	_ =	swait.ge [sflag:s13], $0x6400  }
0x1e: {  	[sflag:s13] =	ssyncset.done $0x0  }
0x1f: {  	[sflag:s13] =	ssyncadd.s32 $0xFFFF9C00  }
0x20: {  	[tilespmem:s15], [sflag:$0x2] =	stream.indirect.gather [spmem:s2], $0x80, s3, s14, $0xb8;
	[tilespmem:$0x1EA40] =	vst v63  }
0x21: {  	_ = 	snop  }
0x22: {  	[tilespmem:s16], [sflag:$0x3] =	stream.indirect.gather [spmem:s2], $0x80, s14, s14, $0xb8;
	[tilespmem:$0x1EA40] =	vst v63  }
0x23: {  	s25 =	simm.s32 $0x200  }
0x24: {  	[tilespmem:s17], [sflag:$0x4] =	stream.indirect.gather [spmem:s2], $0x80, s25, s14, $0xb8;
	[tilespmem:$0x1EA40] =	vst v63  }
0x25: {  	_ =	swait.ge [sflag:s18], $0x8000  }
0x26: {  	[sflag:s18] =	ssyncset.done $0x0  }
0x27: {  	s26 =	sadd.s32 $0x0, s10;
	[sflag:s18] =	ssyncadd.s32 $0xFFFF8000  }
0x28: {  	[hbm4b:s26+s3] =	stream.linear.scatter [tilespmem:s15], [sflag:$0x5], $0x8000, $0x38;
	[tilespmem:$0x1EA40] =	vst v63  }
0x29: {  	_ =	swait.ge [sflag:s19], $0x8000  }
0x2a: {  	[sflag:s19] =	ssyncset.done $0x0  }
0x2b: {  	s28 =	simm.s32 $0x300;
	[sflag:s19] =	ssyncadd.s32 $0xFFFF8000  }
0x2c: {  	[tilespmem:s15], [sflag:$0x2] =	stream.indirect.gather [spmem:s2], $0x80, s28, s14, $0xb8;
	[tilespmem:$0x1EA40] =	vst v63  }
0x2d: {  	_ =	swait.ge [sflag:s20], $0x8000  }
0x2e: {  	[sflag:s20] =	ssyncset.done $0x0  }
0x2f: {  	s26 =	sadd.s32 $0x1000, s26;
	[sflag:s20] =	ssyncadd.s32 $0xFFFF8000  }
0x30: {  	[hbm4b:s26+s3] =	stream.linear.scatter [tilespmem:s16], [sflag:$0x5], $0x8000, $0x38;
	[tilespmem:$0x1EA40] =	vst v63  }
0x31: {  	_ =	swait.ge [sflag:s19], $0x8000  }
0x32: {  	[sflag:s19] =	ssyncset.done $0x0  }
0x33: {  	s30 =	simm.s32 $0x400;
	[sflag:s19] =	ssyncadd.s32 $0xFFFF8000  }
0x34: {  	[tilespmem:s16], [sflag:$0x3] =	stream.indirect.gather [spmem:s2], $0x80, s30, s14, $0xb8;
	[tilespmem:$0x1EA40] =	vst v63  }
0x35: {  	_ =	swait.ge [sflag:s21], $0x8000  }
0x36: {  	[sflag:s21] =	ssyncset.done $0x0  }
0x37: {  	s31 =	sadd.s32 $0x0, s11;
	[sflag:s21] =	ssyncadd.s32 $0xFFFF8000  }
0x38: {  	[hbm4b:s31+s3] =	stream.linear.scatter [tilespmem:s17], [sflag:$0x5], $0x8000, $0x38;
	[tilespmem:$0x1EA40] =	vst v63  }
0x39: {  	_ =	swait.ge [sflag:s19], $0x8000  }
0x3a: {  	s26 =	simm.s32 $0x3000;
	[sflag:s19] =	ssyncset.done $0x0  }
.LBB2_2:
0x3b: {  	p1 =	sne.s32 s26, $0x5D000;
	[sflag:s19] =	ssyncadd.s32 $0xFFFF8000;
	s25 =	sadd.s32 $0x300, s25  }
0x3c: {  	[tilespmem:s17], [sflag:$0x4] =	stream.indirect.gather [spmem:s2], $0x80, s25, s14, $0xb8;
	[tilespmem:$0x1EA40] =	vst v63  }
0x3d: {  	s28 =	smov.u32 s26;
	s26 =	sadd.s32 $0x3000, s26;
	_ =	swait.ge [sflag:s18], $0x8000  }
0x3e: {  	[sflag:s18] =	ssyncset.done $0x0  }
0x3f: {  	s29 =	sadd.s32 s28, s10;
	[sflag:s18] =	ssyncadd.s32 $0xFFFF8000  }
0x40: {  	[hbm4b:s29+s3] =	stream.linear.scatter [tilespmem:s15], [sflag:$0x5], $0x8000, $0x38;
	[tilespmem:$0x1EA40] =	vst v63  }
0x41: {  	_ =	swait.ge [sflag:s19], $0x8000  }
0x42: {  	[sflag:s19] =	ssyncset.done $0x0  }
0x43: {  	s30 =	sadd.s32 $0x100, s25;
	[sflag:s19] =	ssyncadd.s32 $0xFFFF8000  }
0x44: {  	[tilespmem:s15], [sflag:$0x2] =	stream.indirect.gather [spmem:s2], $0x80, s30, s14, $0xb8;
	[tilespmem:$0x1EA40] =	vst v63  }
0x45: {  	_ =	swait.ge [sflag:s20], $0x8000  }
0x46: {  	[sflag:s20] =	ssyncset.done $0x0  }
0x47: {  	s29 =	sadd.s32 $0x1000, s29;
	[sflag:s20] =	ssyncadd.s32 $0xFFFF8000  }
0x48: {  	[hbm4b:s29+s3] =	stream.linear.scatter [tilespmem:s16], [sflag:$0x5], $0x8000, $0x38;
	[tilespmem:$0x1EA40] =	vst v63  }
0x49: {  	_ =	swait.ge [sflag:s19], $0x8000  }
0x4a: {  	[sflag:s19] =	ssyncset.done $0x0  }
0x4b: {  	s29 =	sadd.s32 $0x200, s25;
	[sflag:s19] =	ssyncadd.s32 $0xFFFF8000  }
0x4c: {  	[tilespmem:s16], [sflag:$0x3] =	stream.indirect.gather [spmem:s2], $0x80, s29, s14, $0xb8;
	[tilespmem:$0x1EA40] =	vst v63  }
0x4d: {  	_ =	swait.ge [sflag:s21], $0x8000  }
.Ltmp0:
0x4e: {  	[sflag:s21] =	ssyncset.done $0x0;
	(pc) =	sbr.rel @p1 .LBB2_2-.Ltmp0, $4  }
0x4f: {  	s28 =	sadd.s32 s28, s11;
	[sflag:s21] =	ssyncadd.s32 $0xFFFF8000  }
0x50: {  	[hbm4b:s28+s3] =	stream.linear.scatter [tilespmem:s17], [sflag:$0x5], $0x8000, $0x38;
	[tilespmem:$0x1EA40] =	vst v63  }
0x51: {  	_ =	swait.ge [sflag:s19], $0x8000  }
0x52: {  	[sflag:s19] =	ssyncset.done $0x0  }
0x53: {  	[sflag:s19] =	ssyncadd.s32 $0xFFFF8000  }
0x54: {  	[tilespmem:s17], [sflag:$0x4] =	stream.indirect.gather [spmem:s2], $0x80, s22, s14, $0xb8;
	[tilespmem:$0x1EA40] =	vst v63  }
0x55: {  	_ =	swait.ge [sflag:s18], $0x8000  }
0x56: {  	[sflag:s18] =	ssyncset.done $0x0  }
0x57: {  	[sflag:s18] =	ssyncadd.s32 $0xFFFF8000  }
0x58: {  	[hbm4b:s7+s3] =	stream.linear.scatter [tilespmem:s15], [sflag:$0x5], $0x8000, $0x38;
	[tilespmem:$0x1EA40] =	vst v63  }
0x59: {  	_ =	swait.ge [sflag:s19], $0x8000  }
0x5a: {  	[sflag:s19] =	ssyncset.done $0x0  }
0x5b: {  	[sflag:s19] =	ssyncadd.s32 $0xFFFF8000  }
0x5c: {  	[tilespmem:s15], [sflag:$0x2] =	stream.indirect.gather [spmem:s2], $0x80, s23, s14, $0xb8;
	[tilespmem:$0x1EA40] =	vst v63  }
0x5d: {  	_ =	swait.ge [sflag:s20], $0x8000  }
0x5e: {  	[sflag:s20] =	ssyncset.done $0x0  }
0x5f: {  	[sflag:s20] =	ssyncadd.s32 $0xFFFF8000  }
0x60: {  	[hbm4b:s8+s3] =	stream.linear.scatter [tilespmem:s16], [sflag:$0x5], $0x8000, $0x38;
	[tilespmem:$0x1EA40] =	vst v63  }
0x61: {  	_ =	swait.ge [sflag:s19], $0x8000  }
0x62: {  	[sflag:s19] =	ssyncset.done $0x0  }
0x63: {  	[sflag:s19] =	ssyncadd.s32 $0xFFFF8000  }
0x64: {  	_ =	swait.ge [sflag:s21], $0x8000  }
0x65: {  	[sflag:s21] =	ssyncset.done $0x0  }
0x66: {  	[sflag:s21] =	ssyncadd.s32 $0xFFFF8000  }
0x67: {  	[hbm4b:s9+s3] =	stream.linear.scatter [tilespmem:s17], [sflag:$0x5], $0x8000, $0x38;
	[tilespmem:$0x1EA40] =	vst v63  }
0x68: {  	_ =	swait.ge [sflag:s19], $0x8000  }
0x69: {  	[sflag:s19] =	ssyncset.done $0x0  }
0x6a: {  	[sflag:s19] =	ssyncadd.s32 $0xFFFF8000  }
0x6b: {  	s24 =	sadd.s32 $0x1, s24;
	_ =	swait.ge [sflag:s18], $0x8000  }
0x6c: {  	p1 =	sne.s32 s24, s6;
	[sflag:s18] =	ssyncset.done $0x0  }
.Ltmp1:
0x6d: {  	[sflag:s18] =	ssyncadd.s32 $0xFFFF8000;
	(pc) =	sbr.rel @p1 .LBB2_1-.Ltmp1, $4  }
0x6e: {  	[hbm4b:s5+s3] =	stream.linear.scatter [tilespmem:s15], [sflag:$0x5], $0x8000, $0x38;
	[tilespmem:$0x1EA40] =	vst v63  }
0x6f: {  	_ =	swait.ge [sflag:s19], $0x8000  }
0x70: {  	[sflag:s19] =	ssyncset.done $0x0  }
0x71: {  	[sflag:s19] =	ssyncadd.s32 $0xFFFF8000  }
0x72: {  	_ =	sfence.sel $0x180000  }
0x73: {  	[bflag:$0x0] =	sbarrier.arrive $0xFFFF  }
0x74: {  	_ =	strace $0x90000047  }
0x75: {  	s0 =	sadd.s32 @!p0 $0x100000, s1;
	[bflag:$0x2] =	sbarrier.arrive $0xFFFF  }
0x76: {  	[sflag:s0] =	ssyncadd.tile.s32 @!p0 $0x1;
	_ =	shalt  }
.Lfunc_end2:
_tile_overlayer_lowered:
.L_overlay_start_2:
0x77: {  	(tag) =	ssettag $0x2  }
0x78: {  	s0 =	rddreg [dreg:$0x0];
	s2 =	stileid.u32  }
0x79: {  	s1 =	rddreg [dreg:$0x1];
	p0 =	sne.s32 s2, $0x0  }
0x7a: {  	s3 =	rddreg [dreg:$0x2];
	[bflag:$0x3] =	sbarrier.arrive $0xFFFF;
	s2 =	simm.s32 @!p0 $0x1C05  }
0x7b: {  	[timem:s3], [sflag:s2] =	dma.local @!p0 [hbm:s0], s1  }
0x7c: {  	s0 =	simm.s32 @!p0 $0x5  }
0x7d: {  	_ =	swait.ge @!p0 [sflag:s0], s1  }
0x7e: {  	s1 =	ssub.s32 @!p0 $0x0, s1;
	[sflag:s0] =	ssyncset.done @!p0 $0x0  }
0x7f: {  	[sflag:s0] =	ssyncadd.s32 @!p0 s1  }
0x80: {  	[bflag:$0x3] =	sbarrier.arrive $0xFFFF  }
0x81: {  	_ =	shalt  }

</sc_bundles>
